<compile_context>
chip_gen: v7x
topology: tpu7x:2x2x1
jax: 0.10.2.dev20260603
libtpu: 0.0.44.dev20260713+nightly
codegen_flags: <defaults>
</compile_context>

<pallas_src>
import functools

import jax
import jax.numpy as jnp
from jax import lax
from jax.experimental import pallas as pl
from jax.experimental.pallas import tpu as pltpu
from jax.experimental.pallas import tpu_sc as plsc

N_HID = 128
MAX_LEN = 100
E = 320000

_NC = 2
_NS = 16
_NW = _NC * _NS

_CHUNK = 80
_NROWS = E // _CHUNK
_PER_W = _NROWS // _NW


def _fold_body(emb_ref, w_ref, b_ref, out_ref):
    out_ref[...] = lax.dot_general(
        emb_ref[...], w_ref[...],
        dimension_numbers=(((1,), (1,)), ((), ())),
        preferred_element_type=jnp.float32,
    ) + b_ref[...]


def _fold_table(emb, W, b):
    return pl.pallas_call(
        _fold_body,
        out_shape=jax.ShapeDtypeStruct(emb.shape, jnp.float32),
    )(emb, W, b.reshape(1, N_HID))


_ROWS_W = E // _NW
_NSLOT = 4


def _sc_gather_body(table_hbm, t_hbm, out_hbm, tab_sh, idx_v, buf, gsem, ssem):
    sid = lax.axis_index("s")
    wid = sid * _NC + lax.axis_index("c")
    out_base = wid * _ROWS_W

    @pl.when(sid == 0)
    def _():
        pltpu.sync_copy(table_hbm, tab_sh)

    pltpu.sync_copy(t_hbm.at[pl.ds(out_base, _ROWS_W)], idx_v)
    plsc.subcore_barrier()

    def start_gather(j, slot):
        idx_chunk = idx_v.at[pl.ds(j * _CHUNK, _CHUNK)]
        pltpu.async_copy(tab_sh.at[idx_chunk], buf.at[slot], gsem.at[slot])

    def start_store(j, slot):
        pltpu.async_copy(
            buf.at[slot], out_hbm.at[pl.ds(out_base + j * _CHUNK, _CHUNK)],
            ssem.at[slot])

    def wait_gather(slot):
        pltpu.make_async_copy(
            tab_sh.at[idx_v.at[pl.ds(0, _CHUNK)]], buf.at[slot],
            gsem.at[slot]).wait()

    def wait_store(slot):
        pltpu.make_async_copy(
            buf.at[slot], out_hbm.at[pl.ds(out_base, _CHUNK)],
            ssem.at[slot]).wait()

    for k in range(_NSLOT - 1):
        start_gather(k, k)

    def body(j, carry):
        slot = lax.rem(j, _NSLOT)

        @pl.when(j > 0)
        def _():
            wait_store(lax.rem(j - 1, _NSLOT))

        @pl.when(j + _NSLOT - 1 < _PER_W)
        def _():
            start_gather(j + _NSLOT - 1, lax.rem(j + _NSLOT - 1, _NSLOT))

        wait_gather(slot)
        start_store(j, slot)
        return carry

    lax.fori_loop(0, _PER_W, body, 0)
    wait_store((_PER_W - 1) % _NSLOT)


def kernel(x, t, emb, W, b):
    del x
    table2 = _fold_table(emb, W, b)
    t32 = t.astype(jnp.int32)

    mesh = plsc.VectorSubcoreMesh(
        core_axis_name="c", subcore_axis_name="s",
        num_cores=_NC, num_subcores=_NS,
    )
    gather = functools.partial(
        pl.kernel,
        out_type=jax.ShapeDtypeStruct((E, N_HID), jnp.float32),
        mesh=mesh,
        scratch_types=[
            pltpu.VMEM_SHARED((MAX_LEN, N_HID), jnp.float32),
            pltpu.VMEM((_ROWS_W,), jnp.int32),
            pltpu.VMEM((_NSLOT, _CHUNK, N_HID), jnp.float32),
            pltpu.SemaphoreType.DMA((_NSLOT,)),
            pltpu.SemaphoreType.DMA((_NSLOT,)),
        ],
    )(_sc_gather_body)
    return gather(table2, t32)

# --- scband reference (transcript-rebuilt; emitter-appended) ---
"""Pipeline reference for scband-rel-temporal-encoding-87342454931916 (READ-ONLY COPY).

The authoritative reference and input builder live on the scoring server;
editing this copy changes nothing except your own understanding.
"""

import jax, jax.numpy as jnp
import numpy as np
import math

N_HID = 128
MAX_LEN = 100
E = 320000


def _make_sinusoid_table():
    position = jnp.arange(0.0, MAX_LEN, dtype=jnp.float32)[:, None]
    div_term = jnp.exp(jnp.arange(0, N_HID, 2).astype(jnp.float32) * -(math.log(10000.0) / N_HID))
    table = jnp.zeros((MAX_LEN, N_HID), dtype=jnp.float32)
    table = table.at[:, 0::2].set(jnp.sin(position * div_term) / math.sqrt(N_HID))
    table = table.at[:, 1::2].set(jnp.cos(position * div_term) / math.sqrt(N_HID))
    return table


def setup_inputs(seed: int = 0) -> dict:
    key = jax.random.key(seed)
    k1, k2, k3, k4 = jax.random.split(key, 4)
    x = jax.random.normal(k1, (E, N_HID), dtype=jnp.float32)
    t = jax.random.randint(k2, (E,), 0, MAX_LEN)
    emb = _make_sinusoid_table()
    # nn.Linear(n_hid, n_hid): weight [out, in], bias [out]
    bound = 1.0 / math.sqrt(N_HID)
    W = jax.random.uniform(k3, (N_HID, N_HID), dtype=jnp.float32, minval=-bound, maxval=bound)
    b = jax.random.uniform(k4, (N_HID,), dtype=jnp.float32, minval=-bound, maxval=bound)
    return {"x": x, "t": t, "emb": emb, "W": W, "b": b}


def reference(x, t, emb, W, b):
    # forward(x, t) = lin(emb(t)); x is unused by the module's forward
    h = jnp.take(emb, t, axis=0)  # embedding lookup [E, n_hid]
    out = h @ W.T + b             # linear layer
    return out

if __name__ == "__main__":
    import jax
    _d = setup_inputs()
    print(jax.jit(kernel)(*tuple(_d.values())))

</pallas_src>

<mosaic_0001>
#map = affine_map<(d0, d1) -> (0, 0)>
#map1 = affine_map<(d0, d1) -> (0)>
module attributes {stable_mosaic.version = 14 : i64} {
  func.func @_sc_gather_body(%arg0: i32, %arg1: i32, %arg2: memref<100x128xf32, #tpu.memory_space<hbm>>, %arg3: memref<320000xi32, #tpu.memory_space<hbm>>, %arg4: memref<320000x128xf32, #tpu.memory_space<hbm>>, %arg5: memref<100x128xf32, #tpu.memory_space<vmem_shared>>, %arg6: memref<10000xi32, #tpu.memory_space<vmem>>, %arg7: memref<4x80x128xf32, #tpu.memory_space<vmem>>, %arg8: memref<4x!tpu.dma_semaphore, #tpu.memory_space<semaphore_mem>>, %arg9: memref<4x!tpu.dma_semaphore, #tpu.memory_space<semaphore_mem>>) attributes {dimension_semantics = [#tpu.dimension_semantics<core_parallel>, #tpu.dimension_semantics<subcore_parallel>], iteration_bounds = array<i64: 2, 16>, scalar_prefetch = 0 : i64, scratch_operands = 5 : i64, tpu.core_type = #tpu.core_type<sc_vector_subcore>, window_params = [{transform_indices = #map}, {transform_indices = #map1}, {transform_indices = #map}]} {
    %mul3A = arith.constant 2 : i32
    %mul3A_0 = arith.muli %arg1, %mul3A : i32
    %add3A = arith.addi %mul3A_0, %arg0 : i32
    %mul3A_1 = arith.constant 10000 : i32
    %mul3A_2 = arith.muli %add3A, %mul3A_1 : i32
    %eq3A = arith.constant 0 : i32
    %eq3A_3 = arith.cmpi eq, %arg1, %eq3A : i32
    %convert_element_type3A = arith.extui %eq3A_3 : i1 to i32
    %cond3A = arith.constant 0 : i32
    %cond3A_4 = arith.cmpi ne, %convert_element_type3A, %cond3A : i32
    scf.if %cond3A_4 {
      "tpu.region"() ({
        %run_scoped3A = tpu.sem_alloc : memref<!tpu.dma_semaphore, #tpu.memory_space<semaphore_mem>>
        tpu.enqueue_dma source(%arg2 : memref<100x128xf32, #tpu.memory_space<hbm>>) target(%arg5 : memref<100x128xf32, #tpu.memory_space<vmem_shared>>) target_semaphore(%run_scoped3A : memref<!tpu.dma_semaphore, #tpu.memory_space<semaphore_mem>>)
        tpu.wait_dma2 semaphore(%run_scoped3A : memref<!tpu.dma_semaphore, #tpu.memory_space<semaphore_mem>>) src(%arg2 : memref<100x128xf32, #tpu.memory_space<hbm>>) dst(%arg5 : memref<100x128xf32, #tpu.memory_space<vmem_shared>>)
        tpu.yield
      }) : () -> ()
    } else {
    }
    "tpu.region"() ({
      %run_scoped3A = tpu.sem_alloc : memref<!tpu.dma_semaphore, #tpu.memory_space<semaphore_mem>>
      %dma_start3A_63 = tpu.memref_slice %arg3[%mul3A_2] : memref<320000xi32, #tpu.memory_space<hbm>> -> memref<10000xi32, #tpu.memory_space<hbm>>
      %dma_start3A_64 = tpu.memref_slice %arg3[%mul3A_2] : memref<320000xi32, #tpu.memory_space<hbm>> -> memref<10000xi32, #tpu.memory_space<hbm>>
      tpu.enqueue_dma source(%dma_start3A_64 : memref<10000xi32, #tpu.memory_space<hbm>>) target(%arg6 : memref<10000xi32, #tpu.memory_space<vmem>>) target_semaphore(%run_scoped3A : memref<!tpu.dma_semaphore, #tpu.memory_space<semaphore_mem>>)
      %dma_wait3A_65 = tpu.memref_slice %arg3[%mul3A_2] : memref<320000xi32, #tpu.memory_space<hbm>> -> memref<10000xi32, #tpu.memory_space<hbm>>
      %dma_wait3A_66 = tpu.memref_slice %arg3[%mul3A_2] : memref<320000xi32, #tpu.memory_space<hbm>> -> memref<10000xi32, #tpu.memory_space<hbm>>
      tpu.wait_dma2 semaphore(%run_scoped3A : memref<!tpu.dma_semaphore, #tpu.memory_space<semaphore_mem>>) src(%dma_wait3A_66 : memref<10000xi32, #tpu.memory_space<hbm>>) dst(%arg6 : memref<10000xi32, #tpu.memory_space<vmem>>)
      tpu.yield
    }) : () -> ()
    %barrier3A = arith.constant 0 : index
    tpu.barrier barrier_id(%barrier3A)
    %dma_start3A = arith.constant 0 : i32
    %dma_start3A_5 = arith.constant 0 : i32
    %dma_start3A_6 = arith.constant 0 : i32
    %dma_start3A_7 = arith.constant 0 : i32
    %dma_start3A_8 = tpu.memref_slice %arg7[%dma_start3A, %dma_start3A_6, %dma_start3A_7] : memref<4x80x128xf32, #tpu.memory_space<vmem>> -> memref<1x80x128xf32, #tpu.memory_space<vmem>>
    %dma_start3A_9 = tpu.memref_squeeze %dma_start3A_8 : memref<1x80x128xf32, #tpu.memory_space<vmem>> -> memref<80x128xf32, #tpu.memory_space<vmem>>
    %dma_start3A_10 = arith.constant 0 : i32
    %dma_start3A_11 = tpu.memref_slice %arg6[%dma_start3A_10] : memref<10000xi32, #tpu.memory_space<vmem>> -> memref<80xi32, #tpu.memory_space<vmem>>
    %dma_start3A_12 = arith.constant 0 : i32
    %dma_start3A_13 = arith.constant 0 : i32
    %dma_start3A_14 = tpu.memref_slice %arg5[%dma_start3A_12, %dma_start3A_13] : memref<100x128xf32, #tpu.memory_space<vmem_shared>> -> memref<100x128xf32, #tpu.memory_space<vmem_shared>>
    %dma_start3A_15 = tpu.memref_slice %arg8[%dma_start3A_5] : memref<4x!tpu.dma_semaphore, #tpu.memory_space<semaphore_mem>> -> memref<1x!tpu.dma_semaphore, #tpu.memory_space<semaphore_mem>>
    %dma_start3A_16 = tpu.memref_squeeze %dma_start3A_15 : memref<1x!tpu.dma_semaphore, #tpu.memory_space<semaphore_mem>> -> memref<!tpu.dma_semaphore, #tpu.memory_space<semaphore_mem>>
    tpu.enqueue_indirect_dma source(%dma_start3A_14 : memref<100x128xf32, #tpu.memory_space<vmem_shared>>) target(%dma_start3A_9 : memref<80x128xf32, #tpu.memory_space<vmem>>) offsets(%dma_start3A_11 : memref<80xi32, #tpu.memory_space<vmem>>) semaphore(%dma_start3A_16 : memref<!tpu.dma_semaphore, #tpu.memory_space<semaphore_mem>>)
    %dma_start3A_17 = arith.constant 1 : i32
    %dma_start3A_18 = arith.constant 1 : i32
    %dma_start3A_19 = arith.constant 0 : i32
    %dma_start3A_20 = arith.constant 0 : i32
    %dma_start3A_21 = tpu.memref_slice %arg7[%dma_start3A_17, %dma_start3A_19, %dma_start3A_20] : memref<4x80x128xf32, #tpu.memory_space<vmem>> -> memref<1x80x128xf32, #tpu.memory_space<vmem>>
    %dma_start3A_22 = tpu.memref_squeeze %dma_start3A_21 : memref<1x80x128xf32, #tpu.memory_space<vmem>> -> memref<80x128xf32, #tpu.memory_space<vmem>>
    %dma_start3A_23 = arith.constant 80 : i32
    %dma_start3A_24 = tpu.memref_slice %arg6[%dma_start3A_23] : memref<10000xi32, #tpu.memory_space<vmem>> -> memref<80xi32, #tpu.memory_space<vmem>>
    %dma_start3A_25 = arith.constant 0 : i32
    %dma_start3A_26 = arith.constant 0 : i32
    %dma_start3A_27 = tpu.memref_slice %arg5[%dma_start3A_25, %dma_start3A_26] : memref<100x128xf32, #tpu.memory_space<vmem_shared>> -> memref<100x128xf32, #tpu.memory_space<vmem_shared>>
    %dma_start3A_28 = tpu.memref_slice %arg8[%dma_start3A_18] : memref<4x!tpu.dma_semaphore, #tpu.memory_space<semaphore_mem>> -> memref<1x!tpu.dma_semaphore, #tpu.memory_space<semaphore_mem>>
    %dma_start3A_29 = tpu.memref_squeeze %dma_start3A_28 : memref<1x!tpu.dma_semaphore, #tpu.memory_space<semaphore_mem>> -> memref<!tpu.dma_semaphore, #tpu.memory_space<semaphore_mem>>
    tpu.enqueue_indirect_dma source(%dma_start3A_27 : memref<100x128xf32, #tpu.memory_space<vmem_shared>>) target(%dma_start3A_22 : memref<80x128xf32, #tpu.memory_space<vmem>>) offsets(%dma_start3A_24 : memref<80xi32, #tpu.memory_space<vmem>>) semaphore(%dma_start3A_29 : memref<!tpu.dma_semaphore, #tpu.memory_space<semaphore_mem>>)
    %dma_start3A_30 = arith.constant 2 : i32
    %dma_start3A_31 = arith.constant 2 : i32
    %dma_start3A_32 = arith.constant 0 : i32
    %dma_start3A_33 = arith.constant 0 : i32
    %dma_start3A_34 = tpu.memref_slice %arg7[%dma_start3A_30, %dma_start3A_32, %dma_start3A_33] : memref<4x80x128xf32, #tpu.memory_space<vmem>> -> memref<1x80x128xf32, #tpu.memory_space<vmem>>
    %dma_start3A_35 = tpu.memref_squeeze %dma_start3A_34 : memref<1x80x128xf32, #tpu.memory_space<vmem>> -> memref<80x128xf32, #tpu.memory_space<vmem>>
    %dma_start3A_36 = arith.constant 160 : i32
    %dma_start3A_37 = tpu.memref_slice %arg6[%dma_start3A_36] : memref<10000xi32, #tpu.memory_space<vmem>> -> memref<80xi32, #tpu.memory_space<vmem>>
    %dma_start3A_38 = arith.constant 0 : i32
    %dma_start3A_39 = arith.constant 0 : i32
    %dma_start3A_40 = tpu.memref_slice %arg5[%dma_start3A_38, %dma_start3A_39] : memref<100x128xf32, #tpu.memory_space<vmem_shared>> -> memref<100x128xf32, #tpu.memory_space<vmem_shared>>
    %dma_start3A_41 = tpu.memref_slice %arg8[%dma_start3A_31] : memref<4x!tpu.dma_semaphore, #tpu.memory_space<semaphore_mem>> -> memref<1x!tpu.dma_semaphore, #tpu.memory_space<semaphore_mem>>
    %dma_start3A_42 = tpu.memref_squeeze %dma_start3A_41 : memref<1x!tpu.dma_semaphore, #tpu.memory_space<semaphore_mem>> -> memref<!tpu.dma_semaphore, #tpu.memory_space<semaphore_mem>>
    tpu.enqueue_indirect_dma source(%dma_start3A_40 : memref<100x128xf32, #tpu.memory_space<vmem_shared>>) target(%dma_start3A_35 : memref<80x128xf32, #tpu.memory_space<vmem>>) offsets(%dma_start3A_37 : memref<80xi32, #tpu.memory_space<vmem>>) semaphore(%dma_start3A_42 : memref<!tpu.dma_semaphore, #tpu.memory_space<semaphore_mem>>)
    %scan3A = arith.constant 0 : i32
    %scan3A_43 = arith.constant 0 : i32
    %scan3A_44 = arith.constant 125 : i32
    %scan3A_45 = arith.addi %scan3A_43, %scan3A_44 : i32
    %scan3A_46 = arith.constant 1 : i32
    scf.for %scan3A_63 = %scan3A_43 to %scan3A_45 step %scan3A_46  : i32 {
      %rem3A = arith.constant 4 : i32
      %rem3A_64 = arith.remsi %scan3A_63, %rem3A : i32
      %gt3A = arith.constant 0 : i32
      %gt3A_65 = arith.cmpi sgt, %scan3A_63, %gt3A : i32
      %convert_element_type3A_66 = arith.extui %gt3A_65 : i1 to i32
      %cond3A_67 = arith.constant 0 : i32
      %cond3A_68 = arith.cmpi ne, %convert_element_type3A_66, %cond3A_67 : i32
      scf.if %cond3A_68 {
        %sub3A_104 = arith.constant 1 : i32
        %sub3A_105 = arith.subi %scan3A_63, %sub3A_104 : i32
        %rem3A_106 = arith.constant 4 : i32
        %rem3A_107 = arith.remsi %sub3A_105, %rem3A_106 : i32
        %dma_wait3A_108 = arith.constant 0 : i32
        %dma_wait3A_109 = arith.constant 0 : i32
        %dma_wait3A_110 = tpu.memref_slice %arg7[%rem3A_107, %dma_wait3A_108, %dma_wait3A_109] : memref<4x80x128xf32, #tpu.memory_space<vmem>> -> memref<1x80x128xf32, #tpu.memory_space<vmem>>
        %dma_wait3A_111 = tpu.memref_squeeze %dma_wait3A_110 : memref<1x80x128xf32, #tpu.memory_space<vmem>> -> memref<80x128xf32, #tpu.memory_space<vmem>>
        %dma_wait3A_112 = arith.constant 0 : i32
        %dma_wait3A_113 = tpu.memref_slice %arg4[%mul3A_2, %dma_wait3A_112] : memref<320000x128xf32, #tpu.memory_space<hbm>> -> memref<80x128xf32, #tpu.memory_space<hbm>>
        %dma_wait3A_114 = tpu.memref_slice %arg9[%rem3A_107] : memref<4x!tpu.dma_semaphore, #tpu.memory_space<semaphore_mem>> -> memref<1x!tpu.dma_semaphore, #tpu.memory_space<semaphore_mem>>
        %dma_wait3A_115 = tpu.memref_squeeze %dma_wait3A_114 : memref<1x!tpu.dma_semaphore, #tpu.memory_space<semaphore_mem>> -> memref<!tpu.dma_semaphore, #tpu.memory_space<semaphore_mem>>
        %dma_wait3A_116 = arith.constant 0 : i32
        %dma_wait3A_117 = tpu.memref_slice %arg4[%mul3A_2, %dma_wait3A_116] : memref<320000x128xf32, #tpu.memory_space<hbm>> -> memref<80x128xf32, #tpu.memory_space<hbm>>
        %dma_wait3A_118 = arith.constant 0 : i32
        %dma_wait3A_119 = arith.constant 0 : i32
        %dma_wait3A_120 = tpu.memref_slice %arg7[%rem3A_107, %dma_wait3A_118, %dma_wait3A_119] : memref<4x80x128xf32, #tpu.memory_space<vmem>> -> memref<1x80x128xf32, #tpu.memory_space<vmem>>
        %dma_wait3A_121 = tpu.memref_squeeze %dma_wait3A_120 : memref<1x80x128xf32, #tpu.memory_space<vmem>> -> memref<80x128xf32, #tpu.memory_space<vmem>>
        tpu.wait_dma2 semaphore(%dma_wait3A_115 : memref<!tpu.dma_semaphore, #tpu.memory_space<semaphore_mem>>) src(%dma_wait3A_121 : memref<80x128xf32, #tpu.memory_space<vmem>>) dst(%dma_wait3A_117 : memref<80x128xf32, #tpu.memory_space<hbm>>)
      } else {
      }
      %add3A_69 = arith.constant 4 : i32
      %add3A_70 = arith.addi %scan3A_63, %add3A_69 : i32
      %sub3A = arith.constant 1 : i32
      %sub3A_71 = arith.subi %add3A_70, %sub3A : i32
      %lt3A = arith.constant 125 : i32
      %lt3A_72 = arith.cmpi slt, %sub3A_71, %lt3A : i32
      %convert_element_type3A_73 = arith.extui %lt3A_72 : i1 to i32
      %cond3A_74 = arith.constant 0 : i32
      %cond3A_75 = arith.cmpi ne, %convert_element_type3A_73, %cond3A_74 : i32
      scf.if %cond3A_75 {
        %add3A_104 = arith.constant 4 : i32
        %add3A_105 = arith.addi %scan3A_63, %add3A_104 : i32
        %sub3A_106 = arith.constant 1 : i32
        %sub3A_107 = arith.subi %add3A_105, %sub3A_106 : i32
        %add3A_108 = arith.constant 4 : i32
        %add3A_109 = arith.addi %scan3A_63, %add3A_108 : i32
        %sub3A_110 = arith.constant 1 : i32
        %sub3A_111 = arith.subi %add3A_109, %sub3A_110 : i32
        %rem3A_112 = arith.constant 4 : i32
        %rem3A_113 = arith.remsi %sub3A_111, %rem3A_112 : i32
        %mul3A_114 = arith.constant 80 : i32
        %mul3A_115 = arith.muli %sub3A_107, %mul3A_114 : i32
        %dma_start3A_116 = arith.constant 0 : i32
        %dma_start3A_117 = arith.constant 0 : i32
        %dma_start3A_118 = tpu.memref_slice %arg7[%rem3A_113, %dma_start3A_116, %dma_start3A_117] : memref<4x80x128xf32, #tpu.memory_space<vmem>> -> memref<1x80x128xf32, #tpu.memory_space<vmem>>
        %dma_start3A_119 = tpu.memref_squeeze %dma_start3A_118 : memref<1x80x128xf32, #tpu.memory_space<vmem>> -> memref<80x128xf32, #tpu.memory_space<vmem>>
        %dma_start3A_120 = tpu.memref_slice %arg6[%mul3A_115] : memref<10000xi32, #tpu.memory_space<vmem>> -> memref<80xi32, #tpu.memory_space<vmem>>
        %dma_start3A_121 = arith.constant 0 : i32
        %dma_start3A_122 = arith.constant 0 : i32
        %dma_start3A_123 = tpu.memref_slice %arg5[%dma_start3A_121, %dma_start3A_122] : memref<100x128xf32, #tpu.memory_space<vmem_shared>> -> memref<100x128xf32, #tpu.memory_space<vmem_shared>>
        %dma_start3A_124 = tpu.memref_slice %arg8[%rem3A_113] : memref<4x!tpu.dma_semaphore, #tpu.memory_space<semaphore_mem>> -> memref<1x!tpu.dma_semaphore, #tpu.memory_space<semaphore_mem>>
        %dma_start3A_125 = tpu.memref_squeeze %dma_start3A_124 : memref<1x!tpu.dma_semaphore, #tpu.memory_space<semaphore_mem>> -> memref<!tpu.dma_semaphore, #tpu.memory_space<semaphore_mem>>
        tpu.enqueue_indirect_dma source(%dma_start3A_123 : memref<100x128xf32, #tpu.memory_space<vmem_shared>>) target(%dma_start3A_119 : memref<80x128xf32, #tpu.memory_space<vmem>>) offsets(%dma_start3A_120 : memref<80xi32, #tpu.memory_space<vmem>>) semaphore(%dma_start3A_125 : memref<!tpu.dma_semaphore, #tpu.memory_space<semaphore_mem>>)
      } else {
      }
      %dma_wait3A_76 = arith.constant 0 : i32
      %dma_wait3A_77 = arith.constant 0 : i32
      %dma_wait3A_78 = tpu.memref_slice %arg7[%rem3A_64, %dma_wait3A_76, %dma_wait3A_77] : memref<4x80x128xf32, #tpu.memory_space<vmem>> -> memref<1x80x128xf32, #tpu.memory_space<vmem>>
      %dma_wait3A_79 = tpu.memref_squeeze %dma_wait3A_78 : memref<1x80x128xf32, #tpu.memory_space<vmem>> -> memref<80x128xf32, #tpu.memory_space<vmem>>
      %dma_wait3A_80 = arith.constant 0 : i32
      %dma_wait3A_81 = tpu.memref_slice %arg6[%dma_wait3A_80] : memref<10000xi32, #tpu.memory_space<vmem>> -> memref<80xi32, #tpu.memory_space<vmem>>
      %dma_wait3A_82 = arith.constant 0 : i32
      %dma_wait3A_83 = arith.constant 0 : i32
      %dma_wait3A_84 = tpu.memref_slice %arg5[%dma_wait3A_82, %dma_wait3A_83] : memref<100x128xf32, #tpu.memory_space<vmem_shared>> -> memref<100x128xf32, #tpu.memory_space<vmem_shared>>
      %dma_wait3A_85 = tpu.memref_slice %arg8[%rem3A_64] : memref<4x!tpu.dma_semaphore, #tpu.memory_space<semaphore_mem>> -> memref<1x!tpu.dma_semaphore, #tpu.memory_space<semaphore_mem>>
      %dma_wait3A_86 = tpu.memref_squeeze %dma_wait3A_85 : memref<1x!tpu.dma_semaphore, #tpu.memory_space<semaphore_mem>> -> memref<!tpu.dma_semaphore, #tpu.memory_space<semaphore_mem>>
      tpu.wait_indirect_dma semaphore(%dma_wait3A_86 : memref<!tpu.dma_semaphore, #tpu.memory_space<semaphore_mem>>) src(%dma_wait3A_84 : memref<100x128xf32, #tpu.memory_space<vmem_shared>>) dst(%dma_wait3A_79 : memref<80x128xf32, #tpu.memory_space<vmem>>)
      %mul3A_87 = arith.constant 80 : i32
      %mul3A_88 = arith.muli %scan3A_63, %mul3A_87 : i32
      %add3A_89 = arith.addi %mul3A_2, %mul3A_88 : i32
      %dma_start3A_90 = arith.constant 0 : i32
      %dma_start3A_91 = arith.constant 0 : i32
      %dma_start3A_92 = tpu.memref_slice %arg7[%rem3A_64, %dma_start3A_90, %dma_start3A_91] : memref<4x80x128xf32, #tpu.memory_space<vmem>> -> memref<1x80x128xf32, #tpu.memory_space<vmem>>
      %dma_start3A_93 = tpu.memref_squeeze %dma_start3A_92 : memref<1x80x128xf32, #tpu.memory_space<vmem>> -> memref<80x128xf32, #tpu.memory_space<vmem>>
      %dma_start3A_94 = arith.constant 0 : i32
      %dma_start3A_95 = tpu.memref_slice %arg4[%add3A_89, %dma_start3A_94] : memref<320000x128xf32, #tpu.memory_space<hbm>> -> memref<80x128xf32, #tpu.memory_space<hbm>>
      %dma_start3A_96 = tpu.memref_slice %arg9[%rem3A_64] : memref<4x!tpu.dma_semaphore, #tpu.memory_space<semaphore_mem>> -> memref<1x!tpu.dma_semaphore, #tpu.memory_space<semaphore_mem>>
      %dma_start3A_97 = tpu.memref_squeeze %dma_start3A_96 : memref<1x!tpu.dma_semaphore, #tpu.memory_space<semaphore_mem>> -> memref<!tpu.dma_semaphore, #tpu.memory_space<semaphore_mem>>
      %dma_start3A_98 = arith.constant 0 : i32
      %dma_start3A_99 = tpu.memref_slice %arg4[%add3A_89, %dma_start3A_98] : memref<320000x128xf32, #tpu.memory_space<hbm>> -> memref<80x128xf32, #tpu.memory_space<hbm>>
      %dma_start3A_100 = arith.constant 0 : i32
      %dma_start3A_101 = arith.constant 0 : i32
      %dma_start3A_102 = tpu.memref_slice %arg7[%rem3A_64, %dma_start3A_100, %dma_start3A_101] : memref<4x80x128xf32, #tpu.memory_space<vmem>> -> memref<1x80x128xf32, #tpu.memory_space<vmem>>
      %dma_start3A_103 = tpu.memref_squeeze %dma_start3A_102 : memref<1x80x128xf32, #tpu.memory_space<vmem>> -> memref<80x128xf32, #tpu.memory_space<vmem>>
      tpu.enqueue_dma source(%dma_start3A_103 : memref<80x128xf32, #tpu.memory_space<vmem>>) target(%dma_start3A_99 : memref<80x128xf32, #tpu.memory_space<hbm>>) target_semaphore(%dma_start3A_97 : memref<!tpu.dma_semaphore, #tpu.memory_space<semaphore_mem>>)
    }
    %scan3A_47 = arith.constant 125 : i32
    %dma_wait3A = arith.constant 0 : i32
    %dma_wait3A_48 = arith.constant 0 : i32
    %dma_wait3A_49 = arith.constant 0 : i32
    %dma_wait3A_50 = arith.constant 0 : i32
    %dma_wait3A_51 = tpu.memref_slice %arg7[%dma_wait3A, %dma_wait3A_49, %dma_wait3A_50] : memref<4x80x128xf32, #tpu.memory_space<vmem>> -> memref<1x80x128xf32, #tpu.memory_space<vmem>>
    %dma_wait3A_52 = tpu.memref_squeeze %dma_wait3A_51 : memref<1x80x128xf32, #tpu.memory_space<vmem>> -> memref<80x128xf32, #tpu.memory_space<vmem>>
    %dma_wait3A_53 = arith.constant 0 : i32
    %dma_wait3A_54 = tpu.memref_slice %arg4[%mul3A_2, %dma_wait3A_53] : memref<320000x128xf32, #tpu.memory_space<hbm>> -> memref<80x128xf32, #tpu.memory_space<hbm>>
    %dma_wait3A_55 = tpu.memref_slice %arg9[%dma_wait3A_48] : memref<4x!tpu.dma_semaphore, #tpu.memory_space<semaphore_mem>> -> memref<1x!tpu.dma_semaphore, #tpu.memory_space<semaphore_mem>>
    %dma_wait3A_56 = tpu.memref_squeeze %dma_wait3A_55 : memref<1x!tpu.dma_semaphore, #tpu.memory_space<semaphore_mem>> -> memref<!tpu.dma_semaphore, #tpu.memory_space<semaphore_mem>>
    %dma_wait3A_57 = arith.constant 0 : i32
    %dma_wait3A_58 = tpu.memref_slice %arg4[%mul3A_2, %dma_wait3A_57] : memref<320000x128xf32, #tpu.memory_space<hbm>> -> memref<80x128xf32, #tpu.memory_space<hbm>>
    %dma_wait3A_59 = arith.constant 0 : i32
    %dma_wait3A_60 = arith.constant 0 : i32
    %dma_wait3A_61 = tpu.memref_slice %arg7[%dma_wait3A, %dma_wait3A_59, %dma_wait3A_60] : memref<4x80x128xf32, #tpu.memory_space<vmem>> -> memref<1x80x128xf32, #tpu.memory_space<vmem>>
    %dma_wait3A_62 = tpu.memref_squeeze %dma_wait3A_61 : memref<1x80x128xf32, #tpu.memory_space<vmem>> -> memref<80x128xf32, #tpu.memory_space<vmem>>
    tpu.wait_dma2 semaphore(%dma_wait3A_56 : memref<!tpu.dma_semaphore, #tpu.memory_space<semaphore_mem>>) src(%dma_wait3A_62 : memref<80x128xf32, #tpu.memory_space<vmem>>) dst(%dma_wait3A_58 : memref<80x128xf32, #tpu.memory_space<hbm>>)
    return
  }
}

module attributes {stable_mosaic.version = 14 : i64} {
  func.func @_fold_body(%arg0: memref<100x128xf32, #tpu.memory_space<vmem>>, %arg1: memref<128x128xf32, #tpu.memory_space<vmem>>, %arg2: memref<1x128xf32, #tpu.memory_space<vmem>>, %arg3: memref<100x128xf32, #tpu.memory_space<vmem>>) attributes {dimension_semantics = [], scalar_prefetch = 0 : i64, scratch_operands = 0 : i64, tpu.core_type = #tpu.core_type<tc>} {
    %get3A = arith.constant 0 : index
    %get3A_0 = arith.constant 0 : index
    %get3A_1 = vector.load %arg0[%get3A, %get3A_0] : memref<100x128xf32, #tpu.memory_space<vmem>>, vector<100x128xf32>
    %get3A_2 = arith.constant 0 : index
    %get3A_3 = arith.constant 0 : index
    %get3A_4 = vector.load %arg1[%get3A_2, %get3A_3] : memref<128x128xf32, #tpu.memory_space<vmem>>, vector<128x128xf32>
    %dot_general3A = arith.constant dense<0.000000e+00> : vector<100x128xf32>
    %dot_general3A_5 = tpu.matmul %get3A_1, %get3A_4, %dot_general3A {dimension_numbers = #tpu.dot_dimension_numbers<[1], [1], [0], [0], [0, 0, 1, 0], [], []>, transpose_lhs_hint = false} : vector<100x128xf32>, vector<128x128xf32>, vector<100x128xf32> -> vector<100x128xf32>
    %get3A_6 = arith.constant 0 : index
    %get3A_7 = arith.constant 0 : index
    %get3A_8 = vector.load %arg2[%get3A_6, %get3A_7] : memref<1x128xf32, #tpu.memory_space<vmem>>, vector<1x128xf32>
    %add3A = vector.broadcast %get3A_8 : vector<1x128xf32> to vector<100x128xf32>
    %add3A_9 = arith.addf %dot_general3A_5, %add3A : vector<100x128xf32>
    %swap3A = arith.constant 0 : index
    %swap3A_10 = arith.constant 0 : index
    %swap3A_11 = vector.load %arg3[%swap3A, %swap3A_10] : memref<100x128xf32, #tpu.memory_space<vmem>>, vector<100x128xf32>
    tpu.vector_store %arg3[%swap3A, %swap3A_10], %add3A_9 {strides = array<i32>} : memref<100x128xf32, #tpu.memory_space<vmem>>, vector<100x128xf32>,
    return
  }
}

</mosaic_0001>

<sc_bundles>
// kernel: kernel.4.cloned.1.call-start
scs
__scs_entry_jumppad:
0x0: {  	(pc) =	sbr.rel $0x88, $3  }
0x1: {  	(tag) =	ssettag $0x0;
	lr =	simm.s32 $0x1  }
0x2: {  	[smem:$0x3F9D] =	sst lr;
	_ =	strace $0xD0000000  }
0x3: {  	_ = 	snop  }
0x4: {  	_ = 	snop  }
0x5: {  	_ = 	snop  }
0x6: {  	_ = 	snop  }
0x7: {  	_ = 	snop  }
__scs_overlays_trampoline_lowered:
0x8: {  	[smem:$0x3FAC] =	sst s0  }
0x9: {  	[smem:$0x3FAD] =	sst s1  }
0xa: {  	[smem:$0x3FAE] =	sst s2  }
0xb: {  	[smem:$0x3FAF] =	sst s3  }
0xc: {  	[smem:$0x3FB0] =	sst s4  }
0xd: {  	[smem:$0x3FB1] =	sst s5  }
0xe: {  	[smem:$0x3FB2] =	sst s6  }
0xf: {  	[smem:$0x3FB3] =	sst s7  }
0x10: {  	[smem:$0x3FB4] =	sst s8  }
0x11: {  	[smem:$0x3FB5] =	sst s9;
	s0 =	simm.s32 @!p0 $0x0  }
0x12: {  	s1 =	sld [smem:$0x3F9B];
	s0 =	simm.s32 @p0 $0x1  }
0x13: {  	[smem:$0x3FB6] =	sst s0;
	s0 =	simm.s32 @!p1 $0x0  }
0x14: {  	s2 =	sld [smem:$0x3F9A];
	s0 =	simm.s32 @p1 $0x1  }
0x15: {  	[smem:$0x3FB7] =	sst s0;
	s0 =	simm.s32 @!p2 $0x0  }
0x16: {  	s3 =	sld [smem:$0x3FDB];
	s0 =	simm.s32 @p2 $0x1  }
0x17: {  	s4 =	simm.s32 $0x1BF5;
	[smem:$0x3FB9] =	sst s0  }
0x18: {  	s0 =	sld [smem:$0x3F9C];
	_ =	swait.ge [sflag:s4], $0x0  }
0x19: {  	s7 =	sld [smem:$0x3F9D]  }
0x1a: {  	s8 =	sadd.s32 $0xFFFFE003, lr  }
0x1b: {  	s9 =	sadd.s32 $0xFFFFFEF7, lr;
	s5 =	simm.s32 $0xFFFFFFFF;
	p2 =	slt.u32 s8, $0xFFFFF086  }
0x1c: {  	p1 =	slt.u32 s9, $0xF7A;
	s5 =	simm.s32 @!p2 $0x0  }
0x1d: {  	s5 =	simm.s32 @p1 $0x1;
	p0 =	seq.s32 s7, s2  }
0x1e: {  	s7 =	smul.u32 @!p0 $0xF7A, s2;
	p2 =	seq.s32 @!p0 s5, $0x0  }
0x1f: {  	s9 =	smul.u32 $0xF7A, s1;
	s8 =	simm.s32 @!p0 $0x1BF5;
	p2 =	por !p2, p0  }
0x20: {  	[sflag:s8] =	ssyncset.s32 @!p0 $0xFFFFF086;
	s6 =	sadd.s32 @!p0 s3, s7;
	s7 =	simm.s32 @!p0 $0x108  }
0x21: {  	s3 =	sadd.s32 s3, s9;
	s6 =	sadd.s32 @!p0 $0x88, s6;
	s7 =	simm.s32 @p2 $0x1082  }
0x22: {  	[simem:s7], [sflag:s8] =	dma.local @!p0 [hbm:s6], $0xF7A  }
0x23: {  	s9 =	sor.u32 $0xD0000000, s2;
	s6 =	simm.s32 $0x108;
	_ =	swait.ge @!p0 [sflag:s8], $0x0  }
0x24: {  	s3 =	sadd.s32 $0x88, s3;
	s6 =	simm.s32 @!p1 $0x1082;
	[sflag:s4] =	ssyncset.s32 $0xFFFFF086  }
0x25: {  	[simem:s6], [sflag:s4] =	dma.local [hbm:s3], $0xF7A  }
0x26: {  	[smem:$0x3F9D] =	sst s1;
	(tag) =	ssettag s2;
	_ =	strace s9  }
0x27: {  	s1 =	sld [smem:$0x3FAD]  }
0x28: {  	s2 =	sld [smem:$0x3FAE]  }
0x29: {  	s4 =	sld [smem:$0x3FB0]  }
0x2a: {  	p0 =	seq.s32 s5, $0x0;
	s5 =	sld [smem:$0x3FB1]  }
0x2b: {  	s6 =	sld [smem:$0x3FB2]  }
0x2c: {  	s7 =	sld [smem:$0x3FB3]  }
0x2d: {  	s3 =	simm.s32 $0x108;
	s8 =	sld [smem:$0x3FB4]  }
0x2e: {  	s3 =	simm.s32 @!p0 $0x1082;
	s9 =	sld [smem:$0x3FB5]  }
0x2f: {  	lr =	sadd.s32 s0, s3;
	s0 =	sld [smem:$0x3FAC]  }
0x30: {  	s3 =	sld [smem:$0x3FAF]  }
0x31: {  	[smem:$0x3FB8] =	sst s10  }
0x32: {  	s10 =	sld [smem:$0x3FB6];
	_ =	sdelay $0x3  }
0x33: {  	p0 =	seq.s32 s10, $0x1;
	s10 =	sld [smem:$0x3FB8];
	_ =	sdelay $0x3  }
0x34: {  	[smem:$0x3FB8] =	sst s10  }
0x35: {  	s10 =	sld [smem:$0x3FB7];
	_ =	sdelay $0x3  }
0x36: {  	p1 =	seq.s32 s10, $0x1;
	s10 =	sld [smem:$0x3FB8];
	_ =	sdelay $0x3  }
0x37: {  	[smem:$0x3FB8] =	sst s10  }
0x38: {  	s10 =	sld [smem:$0x3FB9]  }
0x39: {  	_ = 	snop;
	(pc) =	sbr.ind lr, $3  }
0x3a: {  	_ = 	snop  }
0x3b: {  	_ = 	snop  }
0x3c: {  	p2 =	seq.s32 s10, $0x1;
	s10 =	sld [smem:$0x3FB8]  }
0x3d: {  	_ =	shalt  }
0x3e: {  	_ =	shalt  }
0x3f: {  	_ =	shalt  }
0x40: {  	_ =	shalt  }
0x41: {  	_ =	shalt  }
0x42: {  	_ =	shalt  }
0x43: {  	_ =	shalt  }
0x44: {  	_ =	shalt  }
0x45: {  	_ =	shalt  }
0x46: {  	_ =	shalt  }
0x47: {  	_ =	shalt  }
0x48: {  	_ =	shalt  }
0x49: {  	_ =	shalt  }
0x4a: {  	_ =	shalt  }
0x4b: {  	_ =	shalt  }
0x4c: {  	_ =	shalt  }
0x4d: {  	_ =	shalt  }
0x4e: {  	_ =	shalt  }
0x4f: {  	_ =	shalt  }
0x50: {  	_ =	shalt  }
0x51: {  	_ =	shalt  }
0x52: {  	_ =	shalt  }
0x53: {  	_ =	shalt  }
0x54: {  	_ =	shalt  }
0x55: {  	_ =	shalt  }
0x56: {  	_ =	shalt  }
0x57: {  	_ =	shalt  }
0x58: {  	_ =	shalt  }
0x59: {  	_ =	shalt  }
0x5a: {  	_ =	shalt  }
0x5b: {  	_ =	shalt  }
0x5c: {  	_ =	shalt  }
0x5d: {  	_ =	shalt  }
0x5e: {  	_ =	shalt  }
0x5f: {  	_ =	shalt  }
0x60: {  	_ =	shalt  }
0x61: {  	_ =	shalt  }
0x62: {  	_ =	shalt  }
0x63: {  	_ =	shalt  }
0x64: {  	_ =	shalt  }
0x65: {  	_ =	shalt  }
0x66: {  	_ =	shalt  }
0x67: {  	_ =	shalt  }
0x68: {  	_ =	shalt  }
0x69: {  	_ =	shalt  }
0x6a: {  	_ =	shalt  }
0x6b: {  	_ =	shalt  }
0x6c: {  	_ =	shalt  }
0x6d: {  	_ =	shalt  }
0x6e: {  	_ =	shalt  }
0x6f: {  	_ =	shalt  }
0x70: {  	_ =	shalt  }
0x71: {  	_ =	shalt  }
0x72: {  	_ =	shalt  }
0x73: {  	_ =	shalt  }
0x74: {  	_ =	shalt  }
0x75: {  	_ =	shalt  }
0x76: {  	_ =	shalt  }
0x77: {  	_ =	shalt  }
0x78: {  	_ =	shalt  }
0x79: {  	_ =	shalt  }
0x7a: {  	_ =	shalt  }
0x7b: {  	_ =	shalt  }
0x7c: {  	_ =	shalt  }
0x7d: {  	_ =	shalt  }
0x7e: {  	_ =	shalt  }
0x7f: {  	_ =	shalt  }
0x80: {  	_ =	shalt  }
0x81: {  	_ =	shalt  }
0x82: {  	_ =	shalt  }
0x83: {  	_ =	shalt  }
0x84: {  	_ =	shalt  }
0x85: {  	_ =	shalt  }
0x86: {  	_ =	shalt  }
0x87: {  	_ =	shalt  }
.Lfunc_end0:
.L_simem_size_0:
called_computation_lowered:
.L_overlay_start_0:
0x88: {  	s2 =	sld [smem:$0x3FD9]  }
0x89: {  	s3 =	sld [smem:$0x3FFE];
	_ =	sdelay $0x1  }
0x8a: {  	s1 =	srdreg.scid  }
0x8b: {  	s0 =	sand.u32 $0x1, s1  }
0x8c: {  	s17 =	sshll.u32 s0, $0xA;
	s2 =	sadd.s32 s3, s2  }
0x8d: {  	s2 =	sadd.s32 s2, s17  }
0x8e: {  	[smem:$0x3FC4] =	sst s2  }
0x8f: {  	_ = 	snop  }
0x90: {  	s2 =	sld [smem:$0x3FC9]  }
0x91: {  	s18 =	sld [smem:$0x3FD0];
	(tm) =	ssettm $0x1  }
0x92: {  	s4 =	sld [smem:$0x3FFB];
	_ =	sdelay $0x3  }
0x93: {  	_ =	strace s4  }
0x94: {  	s4 =	sld [smem:$0x3FFC];
	_ =	sdelay $0x3  }
0x95: {  	_ =	strace s4  }
0x96: {  	s4 =	sld [smem:$0x3FFD];
	_ =	sdelay $0x3  }
0x97: {  	_ =	strace s4  }
0x98: {  	_ =	strace $0x8FFFFFFF  }
0x99: {  	s19 =	sld [smem:$0x3FDB];
	_ =	sdelay $0x1  }
0x9a: {  	s5 =	simm.s32 $_scs_section_size  }
0x9b: {  	s6 =	simm.s32 $_size__tile_overlayer_lowered;
	s7 =	simm.s32 $_tile_overlayer_lowered  }
0x9c: {  	s22 =	simm.s32 $0x1BFF;
	s21 =	sshll.u32 s7, $0x1;
	s4 =	sadd.s32 s5, s19  }
0x9d: {  	s8 =	simm.s32 $0x0;
	s20 =	sshll.u32 s6, $0x1;
	s6 =	sadd.s32 s21, s4  }
0x9e: {  	[timem:s8], [sflag:s22] =	dma.local [hbm:s6], s20  }
0x9f: {  	_ =	swait.ge [sflag:s22], s20  }
0xa0: {  	s5 =	ssub.s32 $0x0, s20;
	[sflag:s22] =	ssyncset.done $0x0  }
0xa1: {  	[sflag:s22] =	ssyncadd.s32 s5;
	_ =	sdelay $0x1  }
0xa2: {  	s23 =	simm.s32 $0x1B8B  }
0xa3: {  	_ =	swait.ge [sflag:s23], $0x1  }
0xa4: {  	[sflag:s23] =	ssyncset.done $0x0  }
0xa5: {  	s25 =	simm.s32 $0x1B8E;
	s24 =	sld [smem:$0x3FFE];
	[sflag:s23] =	ssyncadd.s32 $0xFFFFFFFF  }
0xa6: {  	s26 =	simm.s32 $execute0_lowered;
	[smem:$0x3FD2] =	sst s25  }
0xa7: {  	s6 =	sshll.u32 s26, $0x1;
	_ =	strace $0x80000046;
	[dreg:$0x1] =	wrdreg $0xFFFFFFFF  }
0xa8: {  	s28 =	simm.s32 $_size_execute0_lowered;
	s4 =	sadd.s32 s4, s6;
	[dreg:$0x0] =	wrdreg $0x0  }
0xa9: {  	s6 =	sshll.u32 s28, $0x1;
	[dreg:$0x2] =	wrdreg s4  }
0xaa: {  	[dreg:$0x3] =	wrdreg s6  }
0xab: {  	[dreg:$0x4] =	wrdreg $0xC0  }
0xac: {  	_ =	task [dreg:s8], $0x5FFFF  }
0xad: {  	[dreg:$0x1] =	wrdreg $0xFFFFFFFF  }
0xae: {  	[dreg:$0x0] =	wrdreg $0x60  }
0xaf: {  	[dreg:$0x2] =	wrdreg s24  }
0xb0: {  	[dreg:$0x3] =	wrdreg s2  }
0xb1: {  	[dreg:$0x4] =	wrdreg s18  }
0xb2: {  	[dreg:$0x5] =	wrdreg $0x0  }
0xb3: {  	[dreg:$0x6] =	wrdreg $0x9  }
0xb4: {  	_ =	task.clear_ibuf [dreg:s8], $0x7FFFF;
	_ =	strace $0x90000046  }
0xb5: {  	s29 =	simm.s32 $0x9;
	_ =	strace $0x80000048  }
0xb6: {  	_ =	swait.ge [sflag:s29], $0x1  }
0xb7: {  	[sflag:s29] =	ssyncadd.s32 $0xFFFFFFFF  }
0xb8: {  	_ =	strace $0x90000048  }
0xb9: {  	_ =	sfence  }
0xba: {  	s30 =	sld [smem:$0x0];
	_ =	sdelay $0x2  }
0xbb: {  	s31 =	sshll.u32 s1, $0xD;
	s1 =	sshrl.u32 s1, $0x2  }
0xbc: {  	s3 =	sand.u32 $0x4000, s31;
	s1 =	sadd.s32 s1, s30  }
0xbd: {  	s0 =	sor.u32 s3, s0;
	s1 =	sshll.u32 s1, $0x11  }
0xbe: {  	s0 =	sor.u32 s1, s0  }
0xbf: {  	s0 =	sadd.s32 $0x8F2B, s0  }
0xc0: {  	[sflag:s0] =	ssyncadd.remote.s32 $0x1  }
0xc1: {  	_ =	sfence.sel $0xFFFF  }
0xc2: {  	[dreg:$0x0] =	wrdreg $0xFFFFFFFF;
	(pc) =	sbr.abs _section_cstart, $3  }
0xc3: {  	[dreg:$0x1] =	wrdreg $0xFFFFFFFF  }
0xc4: {  	_ =	task.clear_ibuf [dreg:s8], $0x2FFFF;
	_ =	strace $0x9FFFFFFF  }
0xc5: {  	(tm) =	ssettm $0x7FFFFFFF  }
tec
execute0_lowered:
.L_overlay_start_1:
0x0: {  	(tag) =	ssettag $0x1  }
0x1: {  	s3 =	rddreg [dreg:$0x0]  }
0x2: {  	s4 =	rddreg [dreg:$0x1]  }
0x3: {  	s6 =	rddreg [dreg:$0x2]  }
0x4: {  	s0 =	srdreg.scid;
	s7 =	stileid.u32  }
0x5: {  	s1 =	rddreg [dreg:$0x3];
	s2 =	simm.s32 $0x0;
	s14 =	simm.s32 $0x52A0  }
0x6: {  	s15 =	simm.s32 $0x3C0;
	s16 =	simm.s32 $0x7AA0;
	s17 =	simm.s32 $0x410  }
0x7: {  	s18 =	simm.s32 $0xA2A0;
	s19 =	simm.s32 $0x1;
	s20 =	simm.s32 $0x5  }
0x8: {  	s21 =	simm.s32 $0x0;
	s5 =	sand.u32 $0x1, s0;
	s8 =	sshll.u32 s7, $0x1  }
0x9: {  	[smem:$0x7FF] =	sst s2;
	s3 =	sadd.s32 $0xC00, s3;
	s12 =	smul.u32 $0x4E200, s7  }
0xa: {  	p0 =	sne.s32 s7, $0x0;
	s8 =	sor.u32 s5, s8;
	s29 =	smul.u32 $0x27100, s5  }
0xb: {  	_ =	strace $0x80000047;
	s10 =	ssub.s32 $0x2, s5;
	s9 =	smul.u32 $0x2710, s8  }
0xc: {  	s8 =	smul.u32 $0x27100, s8;
	s11 =	sshrl.u32 s10, $0x1;
	s30 =	sadd.s32 s12, s6  }
0xd: {  	s12 =	simm.s32 $0x2AA0;
	s10 =	ssub.s32 s10, s11;
	s31 =	sadd.s32 s29, s30  }
0xe: {  	s11 =	simm.s32 $0x50;
	s9 =	sshrl.u32 s9, $0x3;
	s5 =	smax.u32 s10, $0x1  }
0xf: {  	s6 =	sadd.s32 s6, s8;
	s7 =	sadd.s32 $0x500, s31;
	s8 =	sshrl.u32 @!p0 s1, $0x3  }
0x10: {  	s10 =	simm.s32 $0x9;
	s4 =	sadd.s32 s4, s9;
	s9 =	simm.s32 $0x320  }
.LBB2_1:
0x11: {  	s22 =	simm.s32 @!p0 $0x1C09  }
0x12: {  	[spmem:s8], [sflag:s22] =	dma.local @!p0 [hbm:s3], $0x640  }
0x13: {  	s22 =	simm.s32 @!p0 $0x9  }
0x14: {  	_ =	swait.ge @!p0 [sflag:s22], $0x640  }
0x15: {  	[sflag:s22] =	ssyncset.done @!p0 $0x0  }
0x16: {  	[sflag:s22] =	ssyncadd.s32 @!p0 $0xFFFFF9C0  }
0x17: {  	[tilespmem:s9], [sflag:$0x9] =	stream.linear.gather [hbm4b:s4+s2], $0x2710, $0x38;
	[tilespmem:$0xCAA0] =	vst v63  }
0x18: {  	_ =	swait.ge [sflag:s10], $0x2710  }
0x19: {  	[sflag:s10] =	ssyncset.done $0x0  }
0x1a: {  	[sflag:s10] =	ssyncadd.s32 $0xFFFFD8F0  }
0x1b: {  	[bflag:$0x0] =	sbarrier.arrive $0xFFFF  }
0x1c: {  	[tilespmem:s12], [sflag:$0x1] =	stream.indirect.gather [spmem:s1], $0x80, s9, s11, $0xb8;
	[tilespmem:$0xCAA0] =	vst v63  }
0x1d: {  	s0 =	simm.s32 $0x370  }
0x1e: {  	[tilespmem:s14], [sflag:$0x2] =	stream.indirect.gather [spmem:s1], $0x80, s0, s11, $0xb8;
	[tilespmem:$0xCAA0] =	vst v63  }
0x1f: {  	_ = 	snop  }
0x20: {  	[tilespmem:s16], [sflag:$0x3] =	stream.indirect.gather [spmem:s1], $0x80, s15, s11, $0xb8;
	[tilespmem:$0xCAA0] =	vst v63  }
0x21: {  	s30 =	simm.s32 $0x4;
	s23 =	simm.s32 $0x460;
	s24 =	simm.s32 $0x1  }
0x22: {  	[tilespmem:s18], [sflag:$0x4] =	stream.indirect.gather [spmem:s1], $0x80, s17, s11, $0xb8;
	[tilespmem:$0xCAA0] =	vst v63  }
0x23: {  	p1 =	por $0x0, $0x0;
	s28 =	sand.u32 $0x3, s24;
	_ =	swait.ge [sflag:s19], $0x2800  }
0x24: {  	s24 =	smul.u32 $0xA000, s28;
	s22 =	sand.u32 $0x3, s30;
	[sflag:s19] =	ssyncset.done $0x0  }
0x25: {  	s25 =	sadd.s32 $0x5, s22;
	s26 =	smul.u32 @!p1 $0xA000, s22;
	[sflag:s19] =	ssyncadd.s32 $0xFFFFD800  }
0x26: {  	[hbm4b:s6+s2] =	stream.linear.scatter [tilespmem:s12], [sflag:$0x5], $0x2800, $0x38;
	[tilespmem:$0xCAA0] =	vst v63  }
0x27: {  	s31 =	sadd.s32 $0x1, s28;
	s29 =	sshrl.u32 s24, $0x2;
	_ =	swait.ge [sflag:s25], $0x2800  }
0x28: {  	s22 =	sadd.s32 @!p1 $0x1, s22;
	s26 =	sshrl.u32 @!p1 s26, $0x2;
	[sflag:s25] =	ssyncset.done $0x0  }
0x29: {  	s26 =	sadd.s32 @!p1 $0x2AA0, s26;
	[sflag:s25] =	ssyncadd.s32 $0xFFFFD800;
	s25 =	simm.s32 @!p1 $0x50  }
0x2a: {  	[tilespmem:s26], [sflag:s22] =	stream.indirect.gather @!p1 [spmem:s1], $0x80, s23, s25, $0xb8;
	[tilespmem:$0xCAA0] =	vst v63  }
0x2b: {  	s24 =	simm.s32 $0x4B0;
	s22 =	simm.s32 $0x5;
	_ =	swait.ge [sflag:s31], $0x2800  }
0x2c: {  	s23 =	sadd.s32 $0x500, s7;
	s26 =	sadd.s32 $0x5, s28;
	[sflag:s31] =	ssyncset.done $0x0  }
0x2d: {  	s28 =	sadd.s32 $0x2AA0, s29;
	s25 =	smov.u32 s7;
	[sflag:s31] =	ssyncadd.s32 $0xFFFFD800  }
.LBB2_2:
0x2e: {  	[hbm4b:s25+s2] =	stream.linear.scatter [tilespmem:s28], [sflag:s26], $0x2800, $0x38;
	[tilespmem:$0xCAA0] =	vst v63  }
0x2f: {  	s26 =	smov.u32 s22;
	s25 =	smov.u32 s23  }
0x30: {  	s22 =	sadd.s32 $0x1, s22;
	s28 =	sadd.s32 $0xFFFFFFFD, s26  }
0x31: {  	s26 =	sand.u32 $0x3, s26;
	s29 =	sand.u32 $0x3, s28;
	p1 =	sgt.u32 s28, $0x79  }
0x32: {  	s28 =	sadd.s32 $0x5, s26;
	s30 =	smul.u32 @!p1 $0xA000, s26;
	s26 =	sadd.s32 @!p1 $0x1, s26  }
0x33: {  	s31 =	sadd.s32 $0x1, s29;
	s0 =	smul.u32 $0xA000, s29;
	_ =	swait.ge [sflag:s28], $0x2800  }
0x34: {  	s13 =	simm.s32 @!p1 $0x50;
	[sflag:s28] =	ssyncset.done $0x0;
	s30 =	sshrl.u32 @!p1 s30, $0x2  }
0x35: {  	[sflag:s28] =	ssyncadd.s32 $0xFFFFD800;
	s28 =	sadd.s32 @!p1 $0x2AA0, s30  }
0x36: {  	[tilespmem:s28], [sflag:s26] =	stream.indirect.gather @!p1 [spmem:s1], $0x80, s24, s13, $0xb8;
	[tilespmem:$0xCAA0] =	vst v63  }
0x37: {  	p1 =	sne.s32 s22, $0x80  }
.Ltmp0:
0x38: {  	_ = 	snop;
	(pc) =	sbr.rel @p1 .LBB2_2-.Ltmp0, $4  }
0x39: {  	_ = 	snop  }
0x3a: {  	s0 =	sshrl.u32 s0, $0x2;
	_ =	swait.ge [sflag:s31], $0x2800  }
0x3b: {  	s23 =	sadd.s32 $0x500, s23;
	s24 =	sadd.s32 $0x50, s24;
	[sflag:s31] =	ssyncset.done $0x0  }
0x3c: {  	s26 =	sadd.s32 $0x5, s29;
	s28 =	sadd.s32 $0x2AA0, s0;
	[sflag:s31] =	ssyncadd.s32 $0xFFFFD800  }
0x3d: {  	s21 =	sadd.s32 $0x1, s21  }
0x3e: {  	p1 =	sne.s32 s21, s5  }
.Ltmp1:
0x3f: {  	_ = 	snop;
	(pc) =	sbr.rel @p1 .LBB2_1-.Ltmp1, $4  }
0x40: {  	[hbm4b:s25+s2] =	stream.linear.scatter [tilespmem:s28], [sflag:s26], $0x2800, $0x38;
	[tilespmem:$0xCAA0] =	vst v63  }
0x41: {  	_ =	swait.ge [sflag:s20], $0x2800  }
0x42: {  	[sflag:s20] =	ssyncset.done $0x0  }
0x43: {  	[sflag:s20] =	ssyncadd.s32 $0xFFFFD800  }
0x44: {  	_ =	sfence.sel $0x180000  }
0x45: {  	[bflag:$0x0] =	sbarrier.arrive $0xFFFF  }
0x46: {  	_ =	strace $0x90000047  }
0x47: {  	[bflag:$0x2] =	sbarrier.arrive $0xFFFF  }
0x48: {  	s0 =	rddreg [dreg:$0x4]  }
0x49: {  	s0 =	sadd.s32 @!p0 $0x100000, s0  }
0x4a: {  	[sflag:s0] =	ssyncadd.tile.s32 @!p0 $0x1;
	_ =	shalt  }
.Lfunc_end2:
_tile_overlayer_lowered:
.L_overlay_start_2:
0x4b: {  	(tag) =	ssettag $0x2  }
0x4c: {  	s0 =	rddreg [dreg:$0x0];
	s2 =	stileid.u32  }
0x4d: {  	s1 =	rddreg [dreg:$0x1];
	p0 =	sne.s32 s2, $0x0  }
0x4e: {  	s3 =	rddreg [dreg:$0x2];
	[bflag:$0x3] =	sbarrier.arrive $0xFFFF;
	s2 =	simm.s32 @!p0 $0x1C09  }
0x4f: {  	[timem:s3], [sflag:s2] =	dma.local @!p0 [hbm:s0], s1  }
0x50: {  	s0 =	simm.s32 @!p0 $0x9  }
0x51: {  	_ =	swait.ge @!p0 [sflag:s0], s1  }
0x52: {  	s1 =	ssub.s32 @!p0 $0x0, s1;
	[sflag:s0] =	ssyncset.done @!p0 $0x0  }
0x53: {  	[sflag:s0] =	ssyncadd.s32 @!p0 s1  }
0x54: {  	[bflag:$0x3] =	sbarrier.arrive $0xFFFF  }
0x55: {  	_ =	shalt  }

</sc_bundles>
